<compile_context>
chip_gen: v7x
topology: tpu7x:2x2x1
jax: 0.10.2.dev20260603
libtpu: 0.0.44.dev20260713+nightly
codegen_flags: <defaults>
</compile_context>

<pallas_src>
import functools

import jax
import jax.numpy as jnp
from jax import lax
from jax.experimental import pallas as pl
from jax.experimental.pallas import tpu as pltpu
from jax.experimental.pallas import tpu_sc as plsc

B, L, D = 8, 576, 64
K = 1024
N = B * L
DECAY = 0.99
TB = 512
NB = N // TB
NW = 32
TPW = N // NW


def _fused_body(x_ref, cb_ref, counts_ref, ema_ref,
                idx_ref, cnew_ref, enew_ref, cbnew_ref, loss_ref,
                acc_dw, acc_hist, acc_sx2):
    i = pl.program_id(0)
    x = x_ref[...]
    cb = cb_ref[...]
    xc = lax.dot_general(x, cb, (((1,), (1,)), ((), ())),
                         preferred_element_type=jnp.float32)
    x2 = jnp.sum(x * x, axis=1, keepdims=True)
    c2 = jnp.sum(cb * cb, axis=1)[None, :]
    d = jnp.sqrt(jnp.maximum(x2 - 2.0 * xc + c2, 0.0))
    dmin = jnp.min(d, axis=1, keepdims=True)
    kidx = lax.broadcasted_iota(jnp.int32, d.shape, 1)
    idx = jnp.min(jnp.where(d == dmin, kidx, K), axis=1)
    idx_ref[...] = idx.reshape(1, TB).astype(jnp.int32)

    enc = (idx[:, None] == kidx).astype(jnp.float32)
    dw_blk = lax.dot_general(enc, x, (((0,), (0,)), ((), ())),
                             preferred_element_type=jnp.float32)
    hist_blk = lax.dot_general(enc, jnp.ones((TB, 1), jnp.float32),
                               (((0,), (0,)), ((), ())),
                               preferred_element_type=jnp.float32)

    @pl.when(i == 0)
    def _():
        acc_dw[...] = jnp.zeros((K, D), jnp.float32)
        acc_hist[...] = jnp.zeros((K, 1), jnp.float32)
        acc_sx2[...] = jnp.zeros((1, 1), jnp.float32)

    acc_dw[...] += dw_blk
    acc_hist[...] += hist_blk
    acc_sx2[...] += jnp.sum(x * x).reshape(1, 1)

    @pl.when(i == NB - 1)
    def _():
        hist = acc_hist[...]
        dw = acc_dw[...]
        cnew = DECAY * counts_ref[...] + (1.0 - DECAY) * hist
        enew = DECAY * ema_ref[...] + (1.0 - DECAY) * dw
        cbnew = enew / cnew
        cnew_ref[...] = cnew
        enew_ref[...] = enew
        cbnew_ref[...] = cbnew
        cb2 = jnp.sum(cbnew * cbnew, axis=1, keepdims=True)
        loss = (0.5 * acc_sx2[...] - jnp.sum(cbnew * dw)
                + 0.5 * jnp.sum(hist * cb2)) / (N * D)
        loss_ref[...] = loss.reshape(1, 1)


def _fused(x2d, codebook, counts2, ema_weight):
    return pl.pallas_call(
        _fused_body,
        grid=(NB,),
        in_specs=[
            pl.BlockSpec((TB, D), lambda i: (i, 0)),
            pl.BlockSpec((K, D), lambda i: (0, 0)),
            pl.BlockSpec((K, 1), lambda i: (0, 0)),
            pl.BlockSpec((K, D), lambda i: (0, 0)),
        ],
        out_specs=[
            pl.BlockSpec((1, TB), lambda i: (0, i)),
            pl.BlockSpec((K, 1), lambda i: (0, 0)),
            pl.BlockSpec((K, D), lambda i: (0, 0)),
            pl.BlockSpec((K, D), lambda i: (0, 0)),
            pl.BlockSpec((1, 1), lambda i: (0, 0)),
        ],
        out_shape=[
            jax.ShapeDtypeStruct((1, N), jnp.int32),
            jax.ShapeDtypeStruct((K, 1), jnp.float32),
            jax.ShapeDtypeStruct((K, D), jnp.float32),
            jax.ShapeDtypeStruct((K, D), jnp.float32),
            jax.ShapeDtypeStruct((1, 1), jnp.float32),
        ],
        scratch_shapes=[
            pltpu.VMEM((K, D), jnp.float32),
            pltpu.VMEM((K, 1), jnp.float32),
            pltpu.VMEM((1, 1), jnp.float32),
        ],
    )(x2d, codebook, counts2, ema_weight)


@functools.cache
def _sc_kernels():
    mesh = plsc.VectorSubcoreMesh(core_axis_name="c", subcore_axis_name="s")
    cp = pltpu.CompilerParams(use_tc_tiling_on_sc=False)

    @functools.partial(
        pl.kernel,
        out_type=jax.ShapeDtypeStruct((N, D), jnp.float32),
        mesh=mesh,
        scratch_types=[
            pltpu.VMEM((TPW,), jnp.int32),
            pltpu.VMEM((TPW, D), jnp.float32),
            pltpu.SemaphoreType.DMA,
        ],
        compiler_params=cp,
    )
    def _sc_gather(cb_hbm, idx_hbm, out_hbm, idx_v, rows_v, sem):
        base = (lax.axis_index("s") * 2 + lax.axis_index("c")) * TPW
        pltpu.sync_copy(idx_hbm.at[pl.ds(base, TPW)], idx_v)
        pltpu.async_copy(cb_hbm.at[idx_v], rows_v, sem).wait()
        pltpu.sync_copy(rows_v, out_hbm.at[pl.ds(base, TPW)])

    return _sc_gather


def kernel(x, codebook, ema_weight, counts):
    sc_gather = _sc_kernels()
    x2d = x.reshape(N, D)
    idx_row, cnew, enew, cbnew, loss = _fused(
        x2d, codebook, counts.reshape(K, 1), ema_weight)
    idx1d = idx_row.reshape(N)

    q2d = sc_gather(cbnew, idx1d)

    return (q2d.reshape(B, L, D), loss[0, 0], idx_row.reshape(B, L),
            cnew.reshape(K), enew, cbnew)

# --- scband reference (transcript-rebuilt; emitter-appended) ---
"""Pipeline reference for scband-vqmoving-avg-7275674599498 (READ-ONLY COPY).

The authoritative reference and input builder live on the scoring server;
editing this copy changes nothing except your own understanding.
"""

import jax, jax.numpy as jnp
import numpy as np

B, L, D = 8, 576, 64
K = 1024  # codebook_size
DECAY = 0.99


def _variance_scaling_uniform(key, shape):
    # flax variance_scaling(scale=1.0, mode='fan_in', distribution='uniform')
    fan_in = shape[-2] if len(shape) > 1 else shape[-1]
    limit = np.sqrt(3.0 / fan_in)
    return jax.random.uniform(key, shape, jnp.float32, minval=-limit, maxval=limit)


def setup_inputs(seed: int = 0) -> dict:
    key = jax.random.key(seed)
    k1, k2, k3 = jax.random.split(key, 3)
    x = jax.random.normal(k1, (B, L, D), dtype=jnp.float32)
    codebook = _variance_scaling_uniform(k2, (K, D))
    ema_weight = _variance_scaling_uniform(k3, (K, D))
    counts = jnp.ones((K,), dtype=jnp.float32)
    return {"x": x, "codebook": codebook, "ema_weight": ema_weight, "counts": counts}


def _cdist(x, cb):
    # Mathematically identical to jnp.linalg.norm(x[:, :, None, :] - cb[None, None, :, :], axis=-1)
    # but avoids materializing the [B, L, K, D] broadcast tensor (1.2 GB).
    x2 = jnp.sum(x * x, axis=-1, keepdims=True)            # [B, L, 1]
    c2 = jnp.sum(cb * cb, axis=-1)                          # [K]
    xc = jnp.einsum('bld,nd->bln', x, cb)                   # [B, L, K]
    d2 = x2 - 2.0 * xc + c2[None, None, :]
    return jnp.sqrt(jnp.maximum(d2, 0.0))


def reference(x, codebook, ema_weight, counts):
    # VQMovingAvg.__call__ with train=True
    distances = _cdist(x, codebook)                         # [B, L, K]
    indices = jnp.argmin(distances, axis=-1)                # [B, L]
    encodings = jax.nn.one_hot(indices, K, dtype=jnp.float32)  # [B, L, K]

    # EMA statistics updates (vq_stats variables)
    counts_new = DECAY * counts + (1.0 - DECAY) * jnp.sum(encodings, axis=(0, 1))
    dw = jnp.einsum('bln,bld->nd', encodings, x)            # scatter-accumulate
    ema_new = DECAY * ema_weight + (1.0 - DECAY) * dw
    codebook_new = ema_new / counts_new[:, None]

    # vector_quantization: jp.dot(encodings, codebook)  (gather via one-hot matmul)
    quantized = jnp.einsum('bln,nd->bld', encodings, codebook_new)
    quantized = x + jax.lax.stop_gradient(quantized - x)    # straight-through

    # optax.l2_loss(x, quantized).mean() == mean(0.5 * (x - quantized)**2)
    codebook_loss = jnp.mean(0.5 * jnp.square(x - quantized))

    return (quantized, codebook_loss, indices, counts_new, ema_new, codebook_new)

if __name__ == "__main__":
    import jax
    _d = setup_inputs()
    print(jax.jit(kernel)(*tuple(_d.values())))

</pallas_src>

<mosaic_0001>
#map = affine_map<(d0, d1) -> (0, 0)>
#map1 = affine_map<(d0, d1) -> (0)>
module attributes {stable_mosaic.version = 14 : i64} {
  func.func @_sc_gather(%arg0: i32, %arg1: i32, %arg2: memref<1024x64xf32, #tpu.memory_space<hbm>>, %arg3: memref<4608xi32, #tpu.memory_space<hbm>>, %arg4: memref<4608x64xf32, #tpu.memory_space<hbm>>, %arg5: memref<144xi32, #tpu.memory_space<vmem>>, %arg6: memref<144x64xf32, #tpu.memory_space<vmem>>, %arg7: memref<!tpu.dma_semaphore, #tpu.memory_space<semaphore_mem>>) attributes {dimension_semantics = [#tpu.dimension_semantics<core_parallel>, #tpu.dimension_semantics<subcore_parallel>], iteration_bounds = array<i64: 2, 16>, scalar_prefetch = 0 : i64, scratch_operands = 3 : i64, tpu.core_type = #tpu.core_type<sc_vector_subcore>, window_params = [{transform_indices = #map}, {transform_indices = #map1}, {transform_indices = #map}]} {
    %mul3A = arith.constant 2 : i32
    %mul3A_0 = arith.muli %arg1, %mul3A : i32
    %add3A = arith.addi %mul3A_0, %arg0 : i32
    %mul3A_1 = arith.constant 144 : i32
    %mul3A_2 = arith.muli %add3A, %mul3A_1 : i32
    "tpu.region"() ({
      %run_scoped3A = tpu.sem_alloc : memref<!tpu.dma_semaphore, #tpu.memory_space<semaphore_mem>>
      %dma_start3A_7 = tpu.memref_slice %arg3[%mul3A_2] : memref<4608xi32, #tpu.memory_space<hbm>> -> memref<144xi32, #tpu.memory_space<hbm>>
      %dma_start3A_8 = tpu.memref_slice %arg3[%mul3A_2] : memref<4608xi32, #tpu.memory_space<hbm>> -> memref<144xi32, #tpu.memory_space<hbm>>
      tpu.enqueue_dma source(%dma_start3A_8 : memref<144xi32, #tpu.memory_space<hbm>>) target(%arg5 : memref<144xi32, #tpu.memory_space<vmem>>) target_semaphore(%run_scoped3A : memref<!tpu.dma_semaphore, #tpu.memory_space<semaphore_mem>>)
      %dma_wait3A_9 = tpu.memref_slice %arg3[%mul3A_2] : memref<4608xi32, #tpu.memory_space<hbm>> -> memref<144xi32, #tpu.memory_space<hbm>>
      %dma_wait3A_10 = tpu.memref_slice %arg3[%mul3A_2] : memref<4608xi32, #tpu.memory_space<hbm>> -> memref<144xi32, #tpu.memory_space<hbm>>
      tpu.wait_dma2 semaphore(%run_scoped3A : memref<!tpu.dma_semaphore, #tpu.memory_space<semaphore_mem>>) src(%dma_wait3A_10 : memref<144xi32, #tpu.memory_space<hbm>>) dst(%arg5 : memref<144xi32, #tpu.memory_space<vmem>>)
      tpu.yield
    }) : () -> ()
    %dma_start3A = arith.constant 0 : i32
    %dma_start3A_3 = arith.constant 0 : i32
    %dma_start3A_4 = tpu.memref_slice %arg2[%dma_start3A, %dma_start3A_3] : memref<1024x64xf32, #tpu.memory_space<hbm>> -> memref<1024x64xf32, #tpu.memory_space<hbm>>
    tpu.enqueue_indirect_dma source(%dma_start3A_4 : memref<1024x64xf32, #tpu.memory_space<hbm>>) target(%arg6 : memref<144x64xf32, #tpu.memory_space<vmem>>) offsets(%arg5 : memref<144xi32, #tpu.memory_space<vmem>>) semaphore(%arg7 : memref<!tpu.dma_semaphore, #tpu.memory_space<semaphore_mem>>)
    %dma_wait3A = arith.constant 0 : i32
    %dma_wait3A_5 = arith.constant 0 : i32
    %dma_wait3A_6 = tpu.memref_slice %arg2[%dma_wait3A, %dma_wait3A_5] : memref<1024x64xf32, #tpu.memory_space<hbm>> -> memref<1024x64xf32, #tpu.memory_space<hbm>>
    tpu.wait_indirect_dma semaphore(%arg7 : memref<!tpu.dma_semaphore, #tpu.memory_space<semaphore_mem>>) src(%dma_wait3A_6 : memref<1024x64xf32, #tpu.memory_space<hbm>>) dst(%arg6 : memref<144x64xf32, #tpu.memory_space<vmem>>)
    "tpu.region"() ({
      %run_scoped3A = tpu.sem_alloc : memref<!tpu.dma_semaphore, #tpu.memory_space<semaphore_mem>>
      %dma_start3A_7 = arith.constant 0 : i32
      %dma_start3A_8 = tpu.memref_slice %arg4[%mul3A_2, %dma_start3A_7] : memref<4608x64xf32, #tpu.memory_space<hbm>> -> memref<144x64xf32, #tpu.memory_space<hbm>>
      %dma_start3A_9 = arith.constant 0 : i32
      %dma_start3A_10 = tpu.memref_slice %arg4[%mul3A_2, %dma_start3A_9] : memref<4608x64xf32, #tpu.memory_space<hbm>> -> memref<144x64xf32, #tpu.memory_space<hbm>>
      tpu.enqueue_dma source(%arg6 : memref<144x64xf32, #tpu.memory_space<vmem>>) target(%dma_start3A_10 : memref<144x64xf32, #tpu.memory_space<hbm>>) target_semaphore(%run_scoped3A : memref<!tpu.dma_semaphore, #tpu.memory_space<semaphore_mem>>)
      %dma_wait3A_11 = arith.constant 0 : i32
      %dma_wait3A_12 = tpu.memref_slice %arg4[%mul3A_2, %dma_wait3A_11] : memref<4608x64xf32, #tpu.memory_space<hbm>> -> memref<144x64xf32, #tpu.memory_space<hbm>>
      %dma_wait3A_13 = arith.constant 0 : i32
      %dma_wait3A_14 = tpu.memref_slice %arg4[%mul3A_2, %dma_wait3A_13] : memref<4608x64xf32, #tpu.memory_space<hbm>> -> memref<144x64xf32, #tpu.memory_space<hbm>>
      tpu.wait_dma2 semaphore(%run_scoped3A : memref<!tpu.dma_semaphore, #tpu.memory_space<semaphore_mem>>) src(%arg6 : memref<144x64xf32, #tpu.memory_space<vmem>>) dst(%dma_wait3A_14 : memref<144x64xf32, #tpu.memory_space<hbm>>)
      tpu.yield
    }) : () -> ()
    return
  }
}

module attributes {stable_mosaic.version = 14 : i64} {
  func.func @_fused_body(%arg0: i32, %arg1: memref<512x64xf32, #tpu.memory_space<vmem>>, %arg2: memref<1024x64xf32, #tpu.memory_space<vmem>>, %arg3: memref<1024x1xf32, #tpu.memory_space<vmem>>, %arg4: memref<1024x64xf32, #tpu.memory_space<vmem>>, %arg5: memref<1x512xi32, #tpu.memory_space<vmem>>, %arg6: memref<1024x1xf32, #tpu.memory_space<vmem>>, %arg7: memref<1024x64xf32, #tpu.memory_space<vmem>>, %arg8: memref<1024x64xf32, #tpu.memory_space<vmem>>, %arg9: memref<1x1xf32, #tpu.memory_space<vmem>>, %arg10: memref<1024x64xf32, #tpu.memory_space<vmem>>, %arg11: memref<1024x1xf32, #tpu.memory_space<vmem>>, %arg12: memref<1x1xf32, #tpu.memory_space<vmem>>) attributes {dimension_semantics = [#tpu.dimension_semantics<arbitrary>], iteration_bounds = array<i64: 9>, scalar_prefetch = 0 : i64, scratch_operands = 3 : i64, tpu.core_type = #tpu.core_type<tc>, window_params = [{transform_indices = @transform_0, window_bounds = array<i64: 512, 64>}, {pipeline_mode = #tpu.pipeline_mode<synchronous>, transform_indices = @transform_1, window_bounds = array<i64: 1024, 64>}, {pipeline_mode = #tpu.pipeline_mode<synchronous>, transform_indices = @transform_2, window_bounds = array<i64: 1024, 1>}, {pipeline_mode = #tpu.pipeline_mode<synchronous>, transform_indices = @transform_3, window_bounds = array<i64: 1024, 64>}, {transform_indices = @transform_4, window_bounds = array<i64: 1, 512>}, {pipeline_mode = #tpu.pipeline_mode<synchronous>, transform_indices = @transform_5, window_bounds = array<i64: 1024, 1>}, {pipeline_mode = #tpu.pipeline_mode<synchronous>, transform_indices = @transform_6, window_bounds = array<i64: 1024, 64>}, {pipeline_mode = #tpu.pipeline_mode<synchronous>, transform_indices = @transform_7, window_bounds = array<i64: 1024, 64>}, {pipeline_mode = #tpu.pipeline_mode<synchronous>, transform_indices = @transform_8, window_bounds = array<i64: 1, 1>}]} {
    %get3A = arith.constant 0 : index
    %get3A_0 = arith.constant 0 : index
    %get3A_1 = vector.load %arg1[%get3A, %get3A_0] : memref<512x64xf32, #tpu.memory_space<vmem>>, vector<512x64xf32>
    %get3A_2 = arith.constant 0 : index
    %get3A_3 = arith.constant 0 : index
    %get3A_4 = vector.load %arg2[%get3A_2, %get3A_3] : memref<1024x64xf32, #tpu.memory_space<vmem>>, vector<1024x64xf32>
    %dot_general3A = arith.constant dense<0.000000e+00> : vector<512x1024xf32>
    %dot_general3A_5 = tpu.matmul %get3A_1, %get3A_4, %dot_general3A {dimension_numbers = #tpu.dot_dimension_numbers<[1], [1], [0], [0], [0, 0, 1, 0], [], []>, transpose_lhs_hint = false} : vector<512x64xf32>, vector<1024x64xf32>, vector<512x1024xf32> -> vector<512x1024xf32>
    %mul3A = arith.mulf %get3A_1, %get3A_1 : vector<512x64xf32>
    %reduce_sum3A = arith.constant dense<0.000000e+00> : vector<512xf32>
    %reduce_sum3A_6 = vector.multi_reduction <add>, %mul3A, %reduce_sum3A [1] : vector<512x64xf32> to vector<512xf32>
    %broadcast_in_dim3A = vector.shape_cast %reduce_sum3A_6 : vector<512xf32> to vector<512x1xf32>
    %mul3A_7 = arith.mulf %get3A_4, %get3A_4 : vector<1024x64xf32>
    %reduce_sum3A_8 = arith.constant dense<0.000000e+00> : vector<1024xf32>
    %reduce_sum3A_9 = vector.multi_reduction <add>, %mul3A_7, %reduce_sum3A_8 [1] : vector<1024x64xf32> to vector<1024xf32>
    %broadcast_in_dim3A_10 = vector.shape_cast %reduce_sum3A_9 : vector<1024xf32> to vector<1x1024xf32>
    %mul3A_11 = arith.constant 2.000000e+00 : f32
    %mul3A_12 = vector.broadcast %mul3A_11 : f32 to vector<512x1024xf32>
    %mul3A_13 = arith.mulf %mul3A_12, %dot_general3A_5 : vector<512x1024xf32>
    %sub3A = vector.broadcast %broadcast_in_dim3A : vector<512x1xf32> to vector<512x1024xf32>
    %sub3A_14 = arith.subf %sub3A, %mul3A_13 : vector<512x1024xf32>
    %add3A = vector.broadcast %broadcast_in_dim3A_10 : vector<1x1024xf32> to vector<512x1024xf32>
    %add3A_15 = arith.addf %sub3A_14, %add3A : vector<512x1024xf32>
    %max3A = arith.constant 0.000000e+00 : f32
    %max3A_16 = vector.broadcast %max3A : f32 to vector<512x1024xf32>
    %max3A_17 = arith.maximumf %add3A_15, %max3A_16 : vector<512x1024xf32>
    %sqrt3A = math.sqrt %max3A_17 : vector<512x1024xf32>
    %reduce_min3A = arith.constant dense<0x7F800000> : vector<512xf32>
    %reduce_min3A_18 = vector.multi_reduction <minimumf>, %sqrt3A, %reduce_min3A [1] : vector<512x1024xf32> to vector<512xf32>
    %broadcast_in_dim3A_19 = vector.shape_cast %reduce_min3A_18 : vector<512xf32> to vector<512x1xf32>
    %iota3A = tpu.iota {dimensions = array<i32: 1>} : vector<512x1024xi32>
    %eq3A = vector.broadcast %broadcast_in_dim3A_19 : vector<512x1xf32> to vector<512x1024xf32>
    %eq3A_20 = arith.cmpf oeq, %sqrt3A, %eq3A : vector<512x1024xf32>
    %jit3A = arith.constant 1024 : i32
    %broadcast_in_dim3A_21 = vector.broadcast %jit3A : i32 to vector<512x1024xi32>
    %select_n3A = arith.select %eq3A_20, %iota3A, %broadcast_in_dim3A_21 : vector<512x1024xi1>, vector<512x1024xi32>
    %reduce_min3A_22 = arith.constant dense<2147483647> : vector<512xi32>
    %reduce_min3A_23 = vector.multi_reduction <minsi>, %select_n3A, %reduce_min3A_22 [1] : vector<512x1024xi32> to vector<512xi32>
    %reshape3A = vector.shape_cast %reduce_min3A_23 : vector<512xi32> to vector<1x512xi32>
    %swap3A = arith.constant 0 : index
    %swap3A_24 = arith.constant 0 : index
    %swap3A_25 = vector.load %arg5[%swap3A, %swap3A_24] : memref<1x512xi32, #tpu.memory_space<vmem>>, vector<1x512xi32>
    tpu.vector_store %arg5[%swap3A, %swap3A_24], %reshape3A {strides = array<i32>} : memref<1x512xi32, #tpu.memory_space<vmem>>, vector<1x512xi32>,
    %broadcast_in_dim3A_26 = vector.shape_cast %reduce_min3A_23 : vector<512xi32> to vector<512x1xi32>
    %eq3A_27 = vector.broadcast %broadcast_in_dim3A_26 : vector<512x1xi32> to vector<512x1024xi32>
    %eq3A_28 = arith.cmpi eq, %eq3A_27, %iota3A : vector<512x1024xi32>
    %convert_element_type3A = arith.extui %eq3A_28 : vector<512x1024xi1> to vector<512x1024xi32>
    %convert_element_type3A_29 = arith.sitofp %convert_element_type3A : vector<512x1024xi32> to vector<512x1024xf32>
    %dot_general3A_30 = arith.constant dense<0.000000e+00> : vector<1024x64xf32>
    %dot_general3A_31 = tpu.matmul %convert_element_type3A_29, %get3A_1, %dot_general3A_30 {dimension_numbers = #tpu.dot_dimension_numbers<[0], [0], [1], [1], [0, 1, 1, 1], [], []>, transpose_lhs_hint = false} : vector<512x1024xf32>, vector<512x64xf32>, vector<1024x64xf32> -> vector<1024x64xf32>
    %broadcast_in_dim3A_32 = arith.constant 1.000000e+00 : f32
    %broadcast_in_dim3A_33 = vector.broadcast %broadcast_in_dim3A_32 : f32 to vector<512x1xf32>
    %dot_general3A_34 = arith.constant dense<0.000000e+00> : vector<1024x1xf32>
    %dot_general3A_35 = tpu.matmul %convert_element_type3A_29, %broadcast_in_dim3A_33, %dot_general3A_34 {dimension_numbers = #tpu.dot_dimension_numbers<[0], [0], [1], [1], [0, 1, 1, 1], [], []>, transpose_lhs_hint = false} : vector<512x1024xf32>, vector<512x1xf32>, vector<1024x1xf32> -> vector<1024x1xf32>
    %eq3A_36 = arith.constant 0 : i32
    %eq3A_37 = arith.cmpi eq, %arg0, %eq3A_36 : i32
    %convert_element_type3A_38 = arith.extui %eq3A_37 : i1 to i32
    %cond3A = arith.constant 0 : i32
    %cond3A_39 = arith.cmpi ne, %convert_element_type3A_38, %cond3A : i32
    scf.if %cond3A_39 {
      %broadcast_in_dim3A_73 = arith.constant 0.000000e+00 : f32
      %broadcast_in_dim3A_74 = vector.broadcast %broadcast_in_dim3A_73 : f32 to vector<1024x64xf32>
      %swap3A_75 = arith.constant 0 : index
      %swap3A_76 = arith.constant 0 : index
      %swap3A_77 = vector.load %arg10[%swap3A_75, %swap3A_76] : memref<1024x64xf32, #tpu.memory_space<vmem>>, vector<1024x64xf32>
      tpu.vector_store %arg10[%swap3A_75, %swap3A_76], %broadcast_in_dim3A_74 {strides = array<i32>} : memref<1024x64xf32, #tpu.memory_space<vmem>>, vector<1024x64xf32>,
      %broadcast_in_dim3A_78 = arith.constant 0.000000e+00 : f32
      %broadcast_in_dim3A_79 = vector.broadcast %broadcast_in_dim3A_78 : f32 to vector<1024x1xf32>
      %swap3A_80 = arith.constant 0 : index
      %swap3A_81 = arith.constant 0 : index
      %swap3A_82 = vector.load %arg11[%swap3A_80, %swap3A_81] : memref<1024x1xf32, #tpu.memory_space<vmem>>, vector<1024x1xf32>
      tpu.vector_store %arg11[%swap3A_80, %swap3A_81], %broadcast_in_dim3A_79 {strides = array<i32>} : memref<1024x1xf32, #tpu.memory_space<vmem>>, vector<1024x1xf32>,
      %broadcast_in_dim3A_83 = arith.constant 0.000000e+00 : f32
      %broadcast_in_dim3A_84 = vector.broadcast %broadcast_in_dim3A_83 : f32 to vector<1x1xf32>
      %swap3A_85 = arith.constant 0 : index
      %swap3A_86 = arith.constant 0 : index
      %swap3A_87 = vector.load %arg12[%swap3A_85, %swap3A_86] : memref<1x1xf32, #tpu.memory_space<vmem>>, vector<1x1xf32>
      tpu.vector_store %arg12[%swap3A_85, %swap3A_86], %broadcast_in_dim3A_84 {strides = array<i32>} : memref<1x1xf32, #tpu.memory_space<vmem>>, vector<1x1xf32>,
    } else {
    }
    %get3A_40 = arith.constant 0 : index
    %get3A_41 = arith.constant 0 : index
    %get3A_42 = vector.load %arg10[%get3A_40, %get3A_41] : memref<1024x64xf32, #tpu.memory_space<vmem>>, vector<1024x64xf32>
    %add3A_43 = arith.addf %get3A_42, %dot_general3A_31 : vector<1024x64xf32>
    %swap3A_44 = arith.constant 0 : index
    %swap3A_45 = arith.constant 0 : index
    %swap3A_46 = vector.load %arg10[%swap3A_44, %swap3A_45] : memref<1024x64xf32, #tpu.memory_space<vmem>>, vector<1024x64xf32>
    tpu.vector_store %arg10[%swap3A_44, %swap3A_45], %add3A_43 {strides = array<i32>} : memref<1024x64xf32, #tpu.memory_space<vmem>>, vector<1024x64xf32>,
    %get3A_47 = arith.constant 0 : index
    %get3A_48 = arith.constant 0 : index
    %get3A_49 = vector.load %arg11[%get3A_47, %get3A_48] : memref<1024x1xf32, #tpu.memory_space<vmem>>, vector<1024x1xf32>
    %add3A_50 = arith.addf %get3A_49, %dot_general3A_35 : vector<1024x1xf32>
    %swap3A_51 = arith.constant 0 : index
    %swap3A_52 = arith.constant 0 : index
    %swap3A_53 = vector.load %arg11[%swap3A_51, %swap3A_52] : memref<1024x1xf32, #tpu.memory_space<vmem>>, vector<1024x1xf32>
    tpu.vector_store %arg11[%swap3A_51, %swap3A_52], %add3A_50 {strides = array<i32>} : memref<1024x1xf32, #tpu.memory_space<vmem>>, vector<1024x1xf32>,
    %get3A_54 = arith.constant 0 : index
    %get3A_55 = arith.constant 0 : index
    %get3A_56 = vector.load %arg12[%get3A_54, %get3A_55] : memref<1x1xf32, #tpu.memory_space<vmem>>, vector<1x1xf32>
    %mul3A_57 = arith.mulf %get3A_1, %get3A_1 : vector<512x64xf32>
    %reduce_sum3A_58 = vector.shape_cast %mul3A_57 : vector<512x64xf32> to vector<1x512x64xf32>
    %reduce_sum3A_59 = arith.constant dense<0.000000e+00> : vector<1xf32>
    %reduce_sum3A_60 = vector.multi_reduction <add>, %reduce_sum3A_58, %reduce_sum3A_59 [1, 2] : vector<1x512x64xf32> to vector<1xf32>
    %reduce_sum3A_61 = vector.shape_cast %reduce_sum3A_60 : vector<1xf32> to vector<1x1x1xf32>
    %reduce_sum3A_62 = vector.extract %reduce_sum3A_61[0, 0, 0] : f32 from vector<1x1x1xf32>
    %reshape3A_63 = vector.broadcast %reduce_sum3A_62 : f32 to vector<1x1xf32>
    %add3A_64 = arith.addf %get3A_56, %reshape3A_63 : vector<1x1xf32>
    %swap3A_65 = arith.constant 0 : index
    %swap3A_66 = arith.constant 0 : index
    %swap3A_67 = vector.load %arg12[%swap3A_65, %swap3A_66] : memref<1x1xf32, #tpu.memory_space<vmem>>, vector<1x1xf32>
    tpu.vector_store %arg12[%swap3A_65, %swap3A_66], %add3A_64 {strides = array<i32>} : memref<1x1xf32, #tpu.memory_space<vmem>>, vector<1x1xf32>,
    %eq3A_68 = arith.constant 8 : i32
    %eq3A_69 = arith.cmpi eq, %arg0, %eq3A_68 : i32
    %convert_element_type3A_70 = arith.extui %eq3A_69 : i1 to i32
    %cond3A_71 = arith.constant 0 : i32
    %cond3A_72 = arith.cmpi ne, %convert_element_type3A_70, %cond3A_71 : i32
    scf.if %cond3A_72 {
      %get3A_73 = arith.constant 0 : index
      %get3A_74 = arith.constant 0 : index
      %get3A_75 = vector.load %arg11[%get3A_73, %get3A_74] : memref<1024x1xf32, #tpu.memory_space<vmem>>, vector<1024x1xf32>
      %get3A_76 = arith.constant 0 : index
      %get3A_77 = arith.constant 0 : index
      %get3A_78 = vector.load %arg10[%get3A_76, %get3A_77] : memref<1024x64xf32, #tpu.memory_space<vmem>>, vector<1024x64xf32>
      %get3A_79 = arith.constant 0 : index
      %get3A_80 = arith.constant 0 : index
      %get3A_81 = vector.load %arg3[%get3A_79, %get3A_80] : memref<1024x1xf32, #tpu.memory_space<vmem>>, vector<1024x1xf32>
      %mul3A_82 = arith.constant 9.900000e-01 : f32
      %mul3A_83 = vector.broadcast %mul3A_82 : f32 to vector<1024x1xf32>
      %mul3A_84 = arith.mulf %mul3A_83, %get3A_81 : vector<1024x1xf32>
      %mul3A_85 = arith.constant 0.00999999977 : f32
      %mul3A_86 = vector.broadcast %mul3A_85 : f32 to vector<1024x1xf32>
      %mul3A_87 = arith.mulf %mul3A_86, %get3A_75 : vector<1024x1xf32>
      %add3A_88 = arith.addf %mul3A_84, %mul3A_87 : vector<1024x1xf32>
      %get3A_89 = arith.constant 0 : index
      %get3A_90 = arith.constant 0 : index
      %get3A_91 = vector.load %arg4[%get3A_89, %get3A_90] : memref<1024x64xf32, #tpu.memory_space<vmem>>, vector<1024x64xf32>
      %mul3A_92 = arith.constant 9.900000e-01 : f32
      %mul3A_93 = vector.broadcast %mul3A_92 : f32 to vector<1024x64xf32>
      %mul3A_94 = arith.mulf %mul3A_93, %get3A_91 : vector<1024x64xf32>
      %mul3A_95 = arith.constant 0.00999999977 : f32
      %mul3A_96 = vector.broadcast %mul3A_95 : f32 to vector<1024x64xf32>
      %mul3A_97 = arith.mulf %mul3A_96, %get3A_78 : vector<1024x64xf32>
      %add3A_98 = arith.addf %mul3A_94, %mul3A_97 : vector<1024x64xf32>
      %div3A = vector.broadcast %add3A_88 : vector<1024x1xf32> to vector<1024x64xf32>
      %div3A_99 = arith.divf %add3A_98, %div3A : vector<1024x64xf32>
      %swap3A_100 = arith.constant 0 : index
      %swap3A_101 = arith.constant 0 : index
      %swap3A_102 = vector.load %arg6[%swap3A_100, %swap3A_101] : memref<1024x1xf32, #tpu.memory_space<vmem>>, vector<1024x1xf32>
      tpu.vector_store %arg6[%swap3A_100, %swap3A_101], %add3A_88 {strides = array<i32>} : memref<1024x1xf32, #tpu.memory_space<vmem>>, vector<1024x1xf32>,
      %swap3A_103 = arith.constant 0 : index
      %swap3A_104 = arith.constant 0 : index
      %swap3A_105 = vector.load %arg7[%swap3A_103, %swap3A_104] : memref<1024x64xf32, #tpu.memory_space<vmem>>, vector<1024x64xf32>
      tpu.vector_store %arg7[%swap3A_103, %swap3A_104], %add3A_98 {strides = array<i32>} : memref<1024x64xf32, #tpu.memory_space<vmem>>, vector<1024x64xf32>,
      %swap3A_106 = arith.constant 0 : index
      %swap3A_107 = arith.constant 0 : index
      %swap3A_108 = vector.load %arg8[%swap3A_106, %swap3A_107] : memref<1024x64xf32, #tpu.memory_space<vmem>>, vector<1024x64xf32>
      tpu.vector_store %arg8[%swap3A_106, %swap3A_107], %div3A_99 {strides = array<i32>} : memref<1024x64xf32, #tpu.memory_space<vmem>>, vector<1024x64xf32>,
      %mul3A_109 = arith.mulf %div3A_99, %div3A_99 : vector<1024x64xf32>
      %reduce_sum3A_110 = arith.constant dense<0.000000e+00> : vector<1024xf32>
      %reduce_sum3A_111 = vector.multi_reduction <add>, %mul3A_109, %reduce_sum3A_110 [1] : vector<1024x64xf32> to vector<1024xf32>
      %broadcast_in_dim3A_112 = vector.shape_cast %reduce_sum3A_111 : vector<1024xf32> to vector<1024x1xf32>
      %get3A_113 = arith.constant 0 : index
      %get3A_114 = arith.constant 0 : index
      %get3A_115 = vector.load %arg12[%get3A_113, %get3A_114] : memref<1x1xf32, #tpu.memory_space<vmem>>, vector<1x1xf32>
      %mul3A_116 = arith.constant 5.000000e-01 : f32
      %mul3A_117 = vector.broadcast %mul3A_116 : f32 to vector<1x1xf32>
      %mul3A_118 = arith.mulf %mul3A_117, %get3A_115 : vector<1x1xf32>
      %mul3A_119 = arith.mulf %div3A_99, %get3A_78 : vector<1024x64xf32>
      %reduce_sum3A_120 = vector.shape_cast %mul3A_119 : vector<1024x64xf32> to vector<1x1024x64xf32>
      %reduce_sum3A_121 = arith.constant dense<0.000000e+00> : vector<1xf32>
      %reduce_sum3A_122 = vector.multi_reduction <add>, %reduce_sum3A_120, %reduce_sum3A_121 [1, 2] : vector<1x1024x64xf32> to vector<1xf32>
      %reduce_sum3A_123 = vector.shape_cast %reduce_sum3A_122 : vector<1xf32> to vector<1x1x1xf32>
      %reduce_sum3A_124 = vector.extract %reduce_sum3A_123[0, 0, 0] : f32 from vector<1x1x1xf32>
      %sub3A_125 = vector.broadcast %reduce_sum3A_124 : f32 to vector<1x1xf32>
      %sub3A_126 = arith.subf %mul3A_118, %sub3A_125 : vector<1x1xf32>
      %mul3A_127 = arith.mulf %get3A_75, %broadcast_in_dim3A_112 : vector<1024x1xf32>
      %reduce_sum3A_128 = vector.shape_cast %mul3A_127 : vector<1024x1xf32> to vector<1x1024x1xf32>
      %reduce_sum3A_129 = arith.constant dense<0.000000e+00> : vector<1xf32>
      %reduce_sum3A_130 = vector.multi_reduction <add>, %reduce_sum3A_128, %reduce_sum3A_129 [1, 2] : vector<1x1024x1xf32> to vector<1xf32>
      %reduce_sum3A_131 = vector.shape_cast %reduce_sum3A_130 : vector<1xf32> to vector<1x1x1xf32>
      %reduce_sum3A_132 = vector.extract %reduce_sum3A_131[0, 0, 0] : f32 from vector<1x1x1xf32>
      %mul3A_133 = arith.constant 5.000000e-01 : f32
      %mul3A_134 = arith.mulf %mul3A_133, %reduce_sum3A_132 : f32
      %add3A_135 = vector.broadcast %mul3A_134 : f32 to vector<1x1xf32>
      %add3A_136 = arith.addf %sub3A_126, %add3A_135 : vector<1x1xf32>
      %div3A_137 = arith.constant 2.949120e+05 : f32
      %div3A_138 = vector.broadcast %div3A_137 : f32 to vector<1x1xf32>
      %div3A_139 = arith.divf %add3A_136, %div3A_138 : vector<1x1xf32>
      %swap3A_140 = arith.constant 0 : index
      %swap3A_141 = arith.constant 0 : index
      %swap3A_142 = vector.load %arg9[%swap3A_140, %swap3A_141] : memref<1x1xf32, #tpu.memory_space<vmem>>, vector<1x1xf32>
      tpu.vector_store %arg9[%swap3A_140, %swap3A_141], %div3A_139 {strides = array<i32>} : memref<1x1xf32, #tpu.memory_space<vmem>>, vector<1x1xf32>,
    } else {
    }
    return
  }
  func.func @transform_0(%arg0: i32) -> (i32, i32) {
    %c0_i32 = arith.constant 0 : i32
    %c0_i32_0 = arith.constant 0 : i32
    return %arg0, %c0_i32 : i32, i32
  }
  func.func @transform_1(%arg0: i32) -> (i32, i32) {
    %c0_i32 = arith.constant 0 : i32
    %c0_i32_0 = arith.constant 0 : i32
    %c0_i32_1 = arith.constant 0 : i32
    return %c0_i32, %c0_i32_0 : i32, i32
  }
  func.func @transform_2(%arg0: i32) -> (i32, i32) {
    %c0_i32 = arith.constant 0 : i32
    %c0_i32_0 = arith.constant 0 : i32
    %c0_i32_1 = arith.constant 0 : i32
    return %c0_i32, %c0_i32_0 : i32, i32
  }
  func.func @transform_3(%arg0: i32) -> (i32, i32) {
    %c0_i32 = arith.constant 0 : i32
    %c0_i32_0 = arith.constant 0 : i32
    %c0_i32_1 = arith.constant 0 : i32
    return %c0_i32, %c0_i32_0 : i32, i32
  }
  func.func @transform_4(%arg0: i32) -> (i32, i32) {
    %c0_i32 = arith.constant 0 : i32
    %c0_i32_0 = arith.constant 0 : i32
    return %c0_i32, %arg0 : i32, i32
  }
  func.func @transform_5(%arg0: i32) -> (i32, i32) {
    %c0_i32 = arith.constant 0 : i32
    %c0_i32_0 = arith.constant 0 : i32
    %c0_i32_1 = arith.constant 0 : i32
    return %c0_i32, %c0_i32_0 : i32, i32
  }
  func.func @transform_6(%arg0: i32) -> (i32, i32) {
    %c0_i32 = arith.constant 0 : i32
    %c0_i32_0 = arith.constant 0 : i32
    %c0_i32_1 = arith.constant 0 : i32
    return %c0_i32, %c0_i32_0 : i32, i32
  }
  func.func @transform_7(%arg0: i32) -> (i32, i32) {
    %c0_i32 = arith.constant 0 : i32
    %c0_i32_0 = arith.constant 0 : i32
    %c0_i32_1 = arith.constant 0 : i32
    return %c0_i32, %c0_i32_0 : i32, i32
  }
  func.func @transform_8(%arg0: i32) -> (i32, i32) {
    %c0_i32 = arith.constant 0 : i32
    %c0_i32_0 = arith.constant 0 : i32
    %c0_i32_1 = arith.constant 0 : i32
    return %c0_i32, %c0_i32_0 : i32, i32
  }
}

</mosaic_0001>

<sc_bundles>
// kernel: kernel.4.cloned.1.call-start
scs
__scs_entry_jumppad:
0x0: {  	(pc) =	sbr.rel $0x88, $3  }
0x1: {  	(tag) =	ssettag $0x0;
	lr =	simm.s32 $0x1  }
0x2: {  	[smem:$0x3F9D] =	sst lr;
	_ =	strace $0xD0000000  }
0x3: {  	_ = 	snop  }
0x4: {  	_ = 	snop  }
0x5: {  	_ = 	snop  }
0x6: {  	_ = 	snop  }
0x7: {  	_ = 	snop  }
__scs_overlays_trampoline_lowered:
0x8: {  	[smem:$0x3FAC] =	sst s0  }
0x9: {  	[smem:$0x3FAD] =	sst s1  }
0xa: {  	[smem:$0x3FAE] =	sst s2  }
0xb: {  	[smem:$0x3FAF] =	sst s3  }
0xc: {  	[smem:$0x3FB0] =	sst s4  }
0xd: {  	[smem:$0x3FB1] =	sst s5  }
0xe: {  	[smem:$0x3FB2] =	sst s6  }
0xf: {  	[smem:$0x3FB3] =	sst s7  }
0x10: {  	[smem:$0x3FB4] =	sst s8  }
0x11: {  	[smem:$0x3FB5] =	sst s9;
	s0 =	simm.s32 @!p0 $0x0  }
0x12: {  	s1 =	sld [smem:$0x3F9B];
	s0 =	simm.s32 @p0 $0x1  }
0x13: {  	[smem:$0x3FB6] =	sst s0;
	s0 =	simm.s32 @!p1 $0x0  }
0x14: {  	s2 =	sld [smem:$0x3F9A];
	s0 =	simm.s32 @p1 $0x1  }
0x15: {  	[smem:$0x3FB7] =	sst s0;
	s0 =	simm.s32 @!p2 $0x0  }
0x16: {  	s3 =	sld [smem:$0x3FDB];
	s0 =	simm.s32 @p2 $0x1  }
0x17: {  	s4 =	simm.s32 $0x1BF5;
	[smem:$0x3FB9] =	sst s0  }
0x18: {  	s0 =	sld [smem:$0x3F9C];
	_ =	swait.ge [sflag:s4], $0x0  }
0x19: {  	s7 =	sld [smem:$0x3F9D]  }
0x1a: {  	s8 =	sadd.s32 $0xFFFFE003, lr  }
0x1b: {  	s9 =	sadd.s32 $0xFFFFFEF7, lr;
	s5 =	simm.s32 $0xFFFFFFFF;
	p2 =	slt.u32 s8, $0xFFFFF086  }
0x1c: {  	p1 =	slt.u32 s9, $0xF7A;
	s5 =	simm.s32 @!p2 $0x0  }
0x1d: {  	s5 =	simm.s32 @p1 $0x1;
	p0 =	seq.s32 s7, s2  }
0x1e: {  	s7 =	smul.u32 @!p0 $0xF7A, s2;
	p2 =	seq.s32 @!p0 s5, $0x0  }
0x1f: {  	s9 =	smul.u32 $0xF7A, s1;
	s8 =	simm.s32 @!p0 $0x1BF5;
	p2 =	por !p2, p0  }
0x20: {  	[sflag:s8] =	ssyncset.s32 @!p0 $0xFFFFF086;
	s6 =	sadd.s32 @!p0 s3, s7;
	s7 =	simm.s32 @!p0 $0x108  }
0x21: {  	s3 =	sadd.s32 s3, s9;
	s6 =	sadd.s32 @!p0 $0x88, s6;
	s7 =	simm.s32 @p2 $0x1082  }
0x22: {  	[simem:s7], [sflag:s8] =	dma.local @!p0 [hbm:s6], $0xF7A  }
0x23: {  	s9 =	sor.u32 $0xD0000000, s2;
	s6 =	simm.s32 $0x108;
	_ =	swait.ge @!p0 [sflag:s8], $0x0  }
0x24: {  	s3 =	sadd.s32 $0x88, s3;
	s6 =	simm.s32 @!p1 $0x1082;
	[sflag:s4] =	ssyncset.s32 $0xFFFFF086  }
0x25: {  	[simem:s6], [sflag:s4] =	dma.local [hbm:s3], $0xF7A  }
0x26: {  	[smem:$0x3F9D] =	sst s1;
	(tag) =	ssettag s2;
	_ =	strace s9  }
0x27: {  	s1 =	sld [smem:$0x3FAD]  }
0x28: {  	s2 =	sld [smem:$0x3FAE]  }
0x29: {  	s4 =	sld [smem:$0x3FB0]  }
0x2a: {  	p0 =	seq.s32 s5, $0x0;
	s5 =	sld [smem:$0x3FB1]  }
0x2b: {  	s6 =	sld [smem:$0x3FB2]  }
0x2c: {  	s7 =	sld [smem:$0x3FB3]  }
0x2d: {  	s3 =	simm.s32 $0x108;
	s8 =	sld [smem:$0x3FB4]  }
0x2e: {  	s3 =	simm.s32 @!p0 $0x1082;
	s9 =	sld [smem:$0x3FB5]  }
0x2f: {  	lr =	sadd.s32 s0, s3;
	s0 =	sld [smem:$0x3FAC]  }
0x30: {  	s3 =	sld [smem:$0x3FAF]  }
0x31: {  	[smem:$0x3FB8] =	sst s10  }
0x32: {  	s10 =	sld [smem:$0x3FB6];
	_ =	sdelay $0x3  }
0x33: {  	p0 =	seq.s32 s10, $0x1;
	s10 =	sld [smem:$0x3FB8];
	_ =	sdelay $0x3  }
0x34: {  	[smem:$0x3FB8] =	sst s10  }
0x35: {  	s10 =	sld [smem:$0x3FB7];
	_ =	sdelay $0x3  }
0x36: {  	p1 =	seq.s32 s10, $0x1;
	s10 =	sld [smem:$0x3FB8];
	_ =	sdelay $0x3  }
0x37: {  	[smem:$0x3FB8] =	sst s10  }
0x38: {  	s10 =	sld [smem:$0x3FB9]  }
0x39: {  	_ = 	snop;
	(pc) =	sbr.ind lr, $3  }
0x3a: {  	_ = 	snop  }
0x3b: {  	_ = 	snop  }
0x3c: {  	p2 =	seq.s32 s10, $0x1;
	s10 =	sld [smem:$0x3FB8]  }
0x3d: {  	_ =	shalt  }
0x3e: {  	_ =	shalt  }
0x3f: {  	_ =	shalt  }
0x40: {  	_ =	shalt  }
0x41: {  	_ =	shalt  }
0x42: {  	_ =	shalt  }
0x43: {  	_ =	shalt  }
0x44: {  	_ =	shalt  }
0x45: {  	_ =	shalt  }
0x46: {  	_ =	shalt  }
0x47: {  	_ =	shalt  }
0x48: {  	_ =	shalt  }
0x49: {  	_ =	shalt  }
0x4a: {  	_ =	shalt  }
0x4b: {  	_ =	shalt  }
0x4c: {  	_ =	shalt  }
0x4d: {  	_ =	shalt  }
0x4e: {  	_ =	shalt  }
0x4f: {  	_ =	shalt  }
0x50: {  	_ =	shalt  }
0x51: {  	_ =	shalt  }
0x52: {  	_ =	shalt  }
0x53: {  	_ =	shalt  }
0x54: {  	_ =	shalt  }
0x55: {  	_ =	shalt  }
0x56: {  	_ =	shalt  }
0x57: {  	_ =	shalt  }
0x58: {  	_ =	shalt  }
0x59: {  	_ =	shalt  }
0x5a: {  	_ =	shalt  }
0x5b: {  	_ =	shalt  }
0x5c: {  	_ =	shalt  }
0x5d: {  	_ =	shalt  }
0x5e: {  	_ =	shalt  }
0x5f: {  	_ =	shalt  }
0x60: {  	_ =	shalt  }
0x61: {  	_ =	shalt  }
0x62: {  	_ =	shalt  }
0x63: {  	_ =	shalt  }
0x64: {  	_ =	shalt  }
0x65: {  	_ =	shalt  }
0x66: {  	_ =	shalt  }
0x67: {  	_ =	shalt  }
0x68: {  	_ =	shalt  }
0x69: {  	_ =	shalt  }
0x6a: {  	_ =	shalt  }
0x6b: {  	_ =	shalt  }
0x6c: {  	_ =	shalt  }
0x6d: {  	_ =	shalt  }
0x6e: {  	_ =	shalt  }
0x6f: {  	_ =	shalt  }
0x70: {  	_ =	shalt  }
0x71: {  	_ =	shalt  }
0x72: {  	_ =	shalt  }
0x73: {  	_ =	shalt  }
0x74: {  	_ =	shalt  }
0x75: {  	_ =	shalt  }
0x76: {  	_ =	shalt  }
0x77: {  	_ =	shalt  }
0x78: {  	_ =	shalt  }
0x79: {  	_ =	shalt  }
0x7a: {  	_ =	shalt  }
0x7b: {  	_ =	shalt  }
0x7c: {  	_ =	shalt  }
0x7d: {  	_ =	shalt  }
0x7e: {  	_ =	shalt  }
0x7f: {  	_ =	shalt  }
0x80: {  	_ =	shalt  }
0x81: {  	_ =	shalt  }
0x82: {  	_ =	shalt  }
0x83: {  	_ =	shalt  }
0x84: {  	_ =	shalt  }
0x85: {  	_ =	shalt  }
0x86: {  	_ =	shalt  }
0x87: {  	_ =	shalt  }
.Lfunc_end0:
.L_simem_size_0:
called_computation_lowered:
.L_overlay_start_0:
0x88: {  	s2 =	sld [smem:$0x3FD9]  }
0x89: {  	s3 =	sld [smem:$0x3FFE];
	_ =	sdelay $0x1  }
0x8a: {  	s1 =	srdreg.scid  }
0x8b: {  	s0 =	sand.u32 $0x1, s1  }
0x8c: {  	s14 =	sshll.u32 s0, $0xA;
	s2 =	sadd.s32 s3, s2  }
0x8d: {  	s2 =	sadd.s32 s2, s14  }
0x8e: {  	[smem:$0x3FC4] =	sst s2  }
0x8f: {  	_ = 	snop  }
0x90: {  	s2 =	sld [smem:$0x3FD0];
	_ =	sdelay $0x2  }
0x91: {  	s15 =	simm.s32 $0xA;
	s4 =	simm.s32 $0x10  }
0x92: {  	[smem:s4], [sflag:s15] =	dma.local [hbm:s2], $0x1  }
0x93: {  	_ =	swait.eq [sflag:s15], $0x1  }
0x94: {  	[sflag:s15] =	ssyncset.done $0x0  }
0x95: {  	[sflag:s15] =	ssyncadd.s32 $0xFFFFFFFF  }
0x96: {  	s16 =	sld [smem:$0x10];
	(tm) =	ssettm $0x1  }
0x97: {  	s17 =	sld [smem:$0x3FFB];
	_ =	sdelay $0x3  }
0x98: {  	_ =	strace s17  }
0x99: {  	s3 =	sld [smem:$0x3FFC];
	_ =	sdelay $0x3  }
0x9a: {  	_ =	strace s3  }
0x9b: {  	s3 =	sld [smem:$0x3FFD];
	_ =	sdelay $0x3  }
0x9c: {  	_ =	strace s3  }
0x9d: {  	_ =	strace $0x8FFFFFFF  }
0x9e: {  	s18 =	sld [smem:$0x3FDB];
	_ =	sdelay $0x1  }
0x9f: {  	s19 =	simm.s32 $_scs_section_size  }
0xa0: {  	s5 =	simm.s32 $_size__tile_overlayer_lowered;
	s6 =	simm.s32 $_tile_overlayer_lowered  }
0xa1: {  	s22 =	simm.s32 $0x1BFF;
	s21 =	sshll.u32 s6, $0x1;
	s3 =	sadd.s32 s19, s18  }
0xa2: {  	s7 =	simm.s32 $0x0;
	s20 =	sshll.u32 s5, $0x1;
	s5 =	sadd.s32 s21, s3  }
0xa3: {  	[timem:s7], [sflag:s22] =	dma.local [hbm:s5], s20  }
0xa4: {  	_ =	swait.ge [sflag:s22], s20  }
0xa5: {  	s4 =	ssub.s32 $0x0, s20;
	[sflag:s22] =	ssyncset.done $0x0  }
0xa6: {  	[sflag:s22] =	ssyncadd.s32 s4;
	_ =	sdelay $0x1  }
0xa7: {  	s23 =	simm.s32 $0x1B8B  }
0xa8: {  	_ =	swait.ge [sflag:s23], $0x1  }
0xa9: {  	[sflag:s23] =	ssyncset.done $0x0  }
0xaa: {  	s25 =	simm.s32 $0x1B8E;
	s24 =	sld [smem:$0x3FFE];
	[sflag:s23] =	ssyncadd.s32 $0xFFFFFFFF  }
0xab: {  	s26 =	simm.s32 $execute0_lowered;
	[smem:$0x3FD2] =	sst s25  }
0xac: {  	s5 =	sshll.u32 s26, $0x1;
	_ =	strace $0x80000046;
	[dreg:$0x1] =	wrdreg $0xFFFFFFFF  }
0xad: {  	s28 =	simm.s32 $_size_execute0_lowered;
	s3 =	sadd.s32 s3, s5;
	[dreg:$0x0] =	wrdreg $0x0  }
0xae: {  	s5 =	sshll.u32 s28, $0x1;
	[dreg:$0x2] =	wrdreg s3  }
0xaf: {  	[dreg:$0x3] =	wrdreg s5  }
0xb0: {  	[dreg:$0x4] =	wrdreg $0xC0  }
0xb1: {  	_ =	task [dreg:s7], $0x5FFFF  }
0xb2: {  	[dreg:$0x1] =	wrdreg $0xFFFFFFFF  }
0xb3: {  	[dreg:$0x0] =	wrdreg $0x60  }
0xb4: {  	[dreg:$0x2] =	wrdreg s24  }
0xb5: {  	[dreg:$0x3] =	wrdreg s16  }
0xb6: {  	[dreg:$0x4] =	wrdreg $0x9  }
0xb7: {  	_ =	task.clear_ibuf [dreg:s7], $0x5FFFF;
	_ =	strace $0x90000046  }
0xb8: {  	s29 =	simm.s32 $0x9;
	_ =	strace $0x80000048  }
0xb9: {  	_ =	swait.ge [sflag:s29], $0x1  }
0xba: {  	[sflag:s29] =	ssyncadd.s32 $0xFFFFFFFF  }
0xbb: {  	_ =	strace $0x90000048  }
0xbc: {  	_ =	sfence  }
0xbd: {  	s30 =	sld [smem:$0x0];
	_ =	sdelay $0x2  }
0xbe: {  	s31 =	sshll.u32 s1, $0xD;
	s1 =	sshrl.u32 s1, $0x2  }
0xbf: {  	s3 =	sand.u32 $0x4000, s31;
	s1 =	sadd.s32 s1, s30  }
0xc0: {  	s0 =	sor.u32 s3, s0;
	s1 =	sshll.u32 s1, $0x11  }
0xc1: {  	s0 =	sor.u32 s1, s0  }
0xc2: {  	s0 =	sadd.s32 $0x8F2B, s0  }
0xc3: {  	[sflag:s0] =	ssyncadd.remote.s32 $0x1  }
0xc4: {  	_ =	sfence.sel $0xFFFF  }
0xc5: {  	[dreg:$0x0] =	wrdreg $0xFFFFFFFF;
	(pc) =	sbr.abs _section_cstart, $3  }
0xc6: {  	[dreg:$0x1] =	wrdreg $0xFFFFFFFF  }
0xc7: {  	_ =	task.clear_ibuf [dreg:s7], $0x2FFFF;
	_ =	strace $0x9FFFFFFF  }
0xc8: {  	(tm) =	ssettm $0x7FFFFFFF  }
0xc9: {  	_ =	shalt  }
tec
execute0_lowered:
.L_overlay_start_1:
0x0: {  	(tag) =	ssettag $0x1  }
0x1: {  	s1 =	srdreg.scid;
	s0 =	stileid.u32  }
0x2: {  	s6 =	sand.u32 $0x1, s1;
	s30 =	sshll.u32 s0, $0x1  }
0x3: {  	s5 =	rddreg [dreg:$0x0];
	s8 =	sor.u32 s6, s30  }
0x4: {  	s9 =	rddreg [dreg:$0x1];
	s2 =	simm.s32 $0x0;
	s3 =	smul.u32 $0x12, s8  }
0x5: {  	[smem:$0x7FF] =	sst s2  }
0x6: {  	s1 =	rddreg [dreg:$0x2];
	_ =	strace $0x80000047;
	s3 =	sadd.s32 s3, s5  }
0x7: {  	s10 =	ssub.s32 $0x2, s6;
	s4 =	sadd.s32 $0x2200, s3;
	s3 =	simm.s32 $0x2  }
0x8: {  	[tilespmem:s2], [sflag:$0x2] =	stream.linear.gather [hbm4b:s4+s2], $0x90, $0x38;
	[tilespmem:$0x2490] =	vst v63  }
0x9: {  	s7 =	simm.s32 $0x1;
	s11 =	sshrl.u32 s10, $0x1;
	_ =	swait.ge [sflag:s3], $0x90  }
0xa: {  	s6 =	simm.s32 $0x90;
	s10 =	ssub.s32 s10, s11;
	[sflag:s3] =	ssyncset.done $0x0  }
0xb: {  	s5 =	sadd.s32 $0x200, s5;
	s31 =	smax.u32 s10, $0x1;
	[sflag:s3] =	ssyncadd.s32 $0xFFFFFF70  }
0xc: {  	[tilespmem:s6], [sflag:$0x1] =	stream.indirect.gather [hbm4b:s5+s6], $0x40, s2, s6, $0xb8;
	[tilespmem:$0x2490] =	vst v63  }
0xd: {  	s8 =	smul.u32 $0x480, s8;
	p0 =	sne.s32 s31, $0x1;
	_ =	swait.ge [sflag:s7], $0x2400  }
.Ltmp0:
0xe: {  	[sflag:s7] =	ssyncset.done $0x0;
	(pc) =	sbr.rel @!p0 .LBB2_2-.Ltmp0, $4  }
0xf: {  	s8 =	sadd.s32 s9, s8;
	[sflag:s7] =	ssyncadd.s32 $0xFFFFDC00  }
0x10: {  	[hbm4b:s8+s2] =	stream.linear.scatter [tilespmem:s6], [sflag:$0x2], $0x2400, $0x38;
	[tilespmem:$0x2490] =	vst v63  }
0x11: {  	_ =	swait.ge [sflag:s3], $0x2400  }
0x12: {  	s9 =	sadd.s32 $0xFFFFFFFF, s31;
	[sflag:s3] =	ssyncset.done $0x0  }
.LBB2_1:
0x13: {  	p0 =	sne.s32 s9, $0x1;
	s9 =	sadd.s32 $0xFFFFFFFF, s9;
	[sflag:s3] =	ssyncadd.s32 $0xFFFFDC00  }
0x14: {  	[tilespmem:s2], [sflag:$0x2] =	stream.linear.gather [hbm4b:s4+s2], $0x90, $0x38;
	[tilespmem:$0x2490] =	vst v63  }
0x15: {  	_ =	swait.ge [sflag:s3], $0x90  }
0x16: {  	[sflag:s3] =	ssyncset.done $0x0  }
0x17: {  	[sflag:s3] =	ssyncadd.s32 $0xFFFFFF70  }
0x18: {  	[tilespmem:s6], [sflag:$0x1] =	stream.indirect.gather [hbm4b:s5+s6], $0x40, s2, s6, $0xb8;
	[tilespmem:$0x2490] =	vst v63  }
0x19: {  	_ =	swait.ge [sflag:s7], $0x2400  }
.Ltmp1:
0x1a: {  	[sflag:s7] =	ssyncset.done $0x0;
	(pc) =	sbr.rel @p0 .LBB2_1-.Ltmp1, $4  }
0x1b: {  	[sflag:s7] =	ssyncadd.s32 $0xFFFFDC00  }
0x1c: {  	[hbm4b:s8+s2] =	stream.linear.scatter [tilespmem:s6], [sflag:$0x2], $0x2400, $0x38;
	[tilespmem:$0x2490] =	vst v63  }
0x1d: {  	_ =	swait.ge [sflag:s3], $0x2400  }
0x1e: {  	[sflag:s3] =	ssyncset.done $0x0  }
.LBB2_2:
0x1f: {  	[sflag:s3] =	ssyncadd.s32 $0xFFFFDC00  }
0x20: {  	_ =	sfence.sel $0x180000  }
0x21: {  	[bflag:$0x0] =	sbarrier.arrive $0xFFFF  }
0x22: {  	p0 =	sne.s32 s0, $0x0;
	_ =	strace $0x90000047  }
0x23: {  	s0 =	sadd.s32 @!p0 $0x100000, s1;
	[bflag:$0x2] =	sbarrier.arrive $0xFFFF  }
0x24: {  	[sflag:s0] =	ssyncadd.tile.s32 @!p0 $0x1;
	_ =	shalt  }
.Lfunc_end2:
_tile_overlayer_lowered:
.L_overlay_start_2:
0x25: {  	(tag) =	ssettag $0x2  }
0x26: {  	s0 =	rddreg [dreg:$0x0];
	s2 =	stileid.u32  }
0x27: {  	s1 =	rddreg [dreg:$0x1];
	p0 =	sne.s32 s2, $0x0  }
0x28: {  	s3 =	rddreg [dreg:$0x2];
	[bflag:$0x3] =	sbarrier.arrive $0xFFFF;
	s2 =	simm.s32 @!p0 $0x1C02  }
0x29: {  	[timem:s3], [sflag:s2] =	dma.local @!p0 [hbm:s0], s1  }
0x2a: {  	s0 =	simm.s32 @!p0 $0x2  }
0x2b: {  	_ =	swait.ge @!p0 [sflag:s0], s1  }
0x2c: {  	s1 =	ssub.s32 @!p0 $0x0, s1;
	[sflag:s0] =	ssyncset.done @!p0 $0x0  }
0x2d: {  	[sflag:s0] =	ssyncadd.s32 @!p0 s1  }
0x2e: {  	[bflag:$0x3] =	sbarrier.arrive $0xFFFF  }
0x2f: {  	_ =	shalt  }

</sc_bundles>
